<compile_context>
chip_gen: v7x
topology: tpu7x:2x2x1
jax: 0.10.2.dev20260603
libtpu: 0.0.44.dev20260713+nightly
codegen_flags: <defaults>
</compile_context>

<pallas_src>
import jax
import jax.numpy as jnp
from jax import lax
from jax.experimental import pallas as pl
from jax.experimental.pallas import tpu as pltpu
from jax.experimental.pallas import tpu_sc as plsc

_NS = 16
_L = 16
_D = 512


def _body(l2_hbm, l1_hbm, l0_hbm, out_hbm, buf, sem):
    w = lax.axis_index("s")
    iota = lax.iota(jnp.int32, _L)

    @pl.when(w < 8)
    def _():
        j = w * _L + iota
        idx = (j >> 1) + (j & 1) * 200
        gather = pltpu.async_copy(l0_hbm.at[idx], buf, sem)
        base = w * _L
        pltpu.sync_copy(l2_hbm.at[pl.ds(base, _L)], out_hbm.at[pl.ds(base, _L)])
        gather.wait()
        pltpu.sync_copy(buf, out_hbm.at[pl.ds(256 + base, _L)])

    @pl.when(w >= 8)
    def _():
        g = w - 8
        idx = (g * _L + iota) * 3
        pltpu.async_copy(l1_hbm.at[idx], buf, sem).wait()
        pltpu.sync_copy(buf, out_hbm.at[pl.ds(128 + g * _L, _L)])


def kernel(layer_2, layer_1, layer_0):
    mesh = plsc.VectorSubcoreMesh(
        core_axis_name="c", subcore_axis_name="s",
        num_cores=1, num_subcores=_NS,
    )
    f = pl.kernel(
        _body,
        out_type=jax.ShapeDtypeStruct((384, _D), jnp.float32),
        mesh=mesh,
        scratch_types=[
            pltpu.VMEM((_L, _D), jnp.float32),
            pltpu.SemaphoreType.DMA,
        ],
    )
    return f(layer_2, layer_1, layer_0)

# --- scband reference (transcript-rebuilt; emitter-appended) ---
"""Pipeline reference for scband-layers-gather-concat-8211977470011 (READ-ONLY COPY).

The authoritative reference and input builder live on the scoring server;
editing this copy changes nothing except your own understanding.
"""

import jax, jax.numpy as jnp
import numpy as np

# Module-constant ordinals, identical to init_kwargs per_layer_ordinals.
# Layer '2' -> SliceValues(0, 128); Layer '1' -> TakeEachNth(step=3, start=0, end=382); Layer '0' -> GenericGather.
ORD2 = np.arange(128, dtype=np.int32)
ORD1 = np.arange(0, 382, 3, dtype=np.int32)
_o0 = np.empty(128, dtype=np.int32)
_o0[0::2] = np.arange(64, dtype=np.int32)
_o0[1::2] = np.arange(64, dtype=np.int32) + 200
ORD0 = _o0


def setup_inputs(seed: int = 0) -> dict:
    key = jax.random.key(seed)
    k2, k1, k0 = jax.random.split(key, 3)
    return {
        "layer_2": jax.random.normal(k2, (4096, 512), dtype=jnp.float32),
        "layer_1": jax.random.normal(k1, (4096, 512), dtype=jnp.float32),
        "layer_0": jax.random.normal(k0, (4096, 512), dtype=jnp.float32),
    }


def reference(layer_2, layer_1, layer_0):
    # self.layers = sorted(keys, reverse=True) -> [2, 1, 0]; per-layer optimal gathers, then concat along dim 0.
    g2 = layer_2[0:128]                                   # SliceValues(start=0, end=128)
    g1 = layer_1[0:382:3]                                 # TakeEachNth(step=3, start=0, end=382)
    g0 = jnp.take(layer_0, jnp.asarray(ORD0), axis=0)     # GenericGather(index_select)
    return jnp.concatenate([g2, g1, g0], axis=0)

if __name__ == "__main__":
    import jax
    _d = setup_inputs()
    print(jax.jit(kernel)(*tuple(_d.values())))

</pallas_src>

<mosaic_0001>
#map = affine_map<(d0, d1) -> (0, 0)>
module attributes {stable_mosaic.version = 14 : i64} {
  func.func @_body(%arg0: i32, %arg1: i32, %arg2: memref<4096x512xf32, #tpu.memory_space<hbm>>, %arg3: memref<4096x512xf32, #tpu.memory_space<hbm>>, %arg4: memref<4096x512xf32, #tpu.memory_space<hbm>>, %arg5: memref<384x512xf32, #tpu.memory_space<hbm>>, %arg6: memref<16x512xf32, #tpu.memory_space<vmem>>, %arg7: memref<!tpu.dma_semaphore, #tpu.memory_space<semaphore_mem>>) attributes {dimension_semantics = [#tpu.dimension_semantics<core_parallel>, #tpu.dimension_semantics<subcore_parallel>], iteration_bounds = array<i64: 1, 16>, scalar_prefetch = 0 : i64, scratch_operands = 2 : i64, tpu.core_type = #tpu.core_type<sc_vector_subcore>, window_params = [{transform_indices = #map}, {transform_indices = #map}, {transform_indices = #map}, {transform_indices = #map}]} {
    %iota3A = tpu.iota {dimensions = array<i32: 0>} : vector<16xi32>
    %lt3A = arith.constant 8 : i32
    %lt3A_0 = arith.cmpi slt, %arg1, %lt3A : i32
    %convert_element_type3A = arith.extui %lt3A_0 : i1 to i32
    %cond3A = arith.constant 0 : i32
    %cond3A_1 = arith.cmpi ne, %convert_element_type3A, %cond3A : i32
    scf.if %cond3A_1 {
      %mul3A = arith.constant 16 : i32
      %mul3A_6 = arith.muli %arg1, %mul3A : i32
      %add3A = vector.broadcast %mul3A_6 : i32 to vector<16xi32>
      %add3A_7 = arith.addi %add3A, %iota3A : vector<16xi32>
      %shift_right_arithmetic3A = arith.constant 1 : i32
      %shift_right_arithmetic3A_8 = vector.broadcast %shift_right_arithmetic3A : i32 to vector<16xi32>
      %shift_right_arithmetic3A_9 = arith.shrsi %add3A_7, %shift_right_arithmetic3A_8 : vector<16xi32>
      %and3A = arith.constant 1 : i32
      %and3A_10 = vector.broadcast %and3A : i32 to vector<16xi32>
      %and3A_11 = arith.andi %add3A_7, %and3A_10 : vector<16xi32>
      %mul3A_12 = arith.constant 200 : i32
      %mul3A_13 = vector.broadcast %mul3A_12 : i32 to vector<16xi32>
      %mul3A_14 = arith.muli %and3A_11, %mul3A_13 : vector<16xi32>
      %add3A_15 = arith.addi %shift_right_arithmetic3A_9, %mul3A_14 : vector<16xi32>
      %dma_start3A = arith.constant 0 : i32
      %dma_start3A_16 = arith.constant 0 : i32
      %dma_start3A_17 = tpu.memref_slice %arg4[%dma_start3A, %dma_start3A_16] : memref<4096x512xf32, #tpu.memory_space<hbm>> -> memref<4096x512xf32, #tpu.memory_space<hbm>>
      tpu.enqueue_indirect_dma source(%dma_start3A_17 : memref<4096x512xf32, #tpu.memory_space<hbm>>) target(%arg6 : memref<16x512xf32, #tpu.memory_space<vmem>>) offsets(%add3A_15 : vector<16xi32>) semaphore(%arg7 : memref<!tpu.dma_semaphore, #tpu.memory_space<semaphore_mem>>)
      %mul3A_18 = arith.constant 16 : i32
      %mul3A_19 = arith.muli %arg1, %mul3A_18 : i32
      "tpu.region"() ({
        %run_scoped3A = tpu.sem_alloc : memref<!tpu.dma_semaphore, #tpu.memory_space<semaphore_mem>>
        %dma_start3A_24 = arith.constant 0 : i32
        %dma_start3A_25 = tpu.memref_slice %arg5[%mul3A_19, %dma_start3A_24] : memref<384x512xf32, #tpu.memory_space<hbm>> -> memref<16x512xf32, #tpu.memory_space<hbm>>
        %dma_start3A_26 = arith.constant 0 : i32
        %dma_start3A_27 = tpu.memref_slice %arg2[%mul3A_19, %dma_start3A_26] : memref<4096x512xf32, #tpu.memory_space<hbm>> -> memref<16x512xf32, #tpu.memory_space<hbm>>
        tpu.enqueue_dma source(%dma_start3A_27 : memref<16x512xf32, #tpu.memory_space<hbm>>) target(%dma_start3A_25 : memref<16x512xf32, #tpu.memory_space<hbm>>) target_semaphore(%run_scoped3A : memref<!tpu.dma_semaphore, #tpu.memory_space<semaphore_mem>>)
        %dma_wait3A_28 = arith.constant 0 : i32
        %dma_wait3A_29 = tpu.memref_slice %arg5[%mul3A_19, %dma_wait3A_28] : memref<384x512xf32, #tpu.memory_space<hbm>> -> memref<16x512xf32, #tpu.memory_space<hbm>>
        %dma_wait3A_30 = arith.constant 0 : i32
        %dma_wait3A_31 = tpu.memref_slice %arg2[%mul3A_19, %dma_wait3A_30] : memref<4096x512xf32, #tpu.memory_space<hbm>> -> memref<16x512xf32, #tpu.memory_space<hbm>>
        tpu.wait_dma2 semaphore(%run_scoped3A : memref<!tpu.dma_semaphore, #tpu.memory_space<semaphore_mem>>) src(%dma_wait3A_31 : memref<16x512xf32, #tpu.memory_space<hbm>>) dst(%dma_wait3A_29 : memref<16x512xf32, #tpu.memory_space<hbm>>)
        tpu.yield
      }) : () -> ()
      %dma_wait3A = arith.constant 0 : i32
      %dma_wait3A_20 = arith.constant 0 : i32
      %dma_wait3A_21 = tpu.memref_slice %arg4[%dma_wait3A, %dma_wait3A_20] : memref<4096x512xf32, #tpu.memory_space<hbm>> -> memref<4096x512xf32, #tpu.memory_space<hbm>>
      tpu.wait_indirect_dma semaphore(%arg7 : memref<!tpu.dma_semaphore, #tpu.memory_space<semaphore_mem>>) src(%dma_wait3A_21 : memref<4096x512xf32, #tpu.memory_space<hbm>>) dst(%arg6 : memref<16x512xf32, #tpu.memory_space<vmem>>)
      %add3A_22 = arith.constant 256 : i32
      %add3A_23 = arith.addi %add3A_22, %mul3A_19 : i32
      "tpu.region"() ({
        %run_scoped3A = tpu.sem_alloc : memref<!tpu.dma_semaphore, #tpu.memory_space<semaphore_mem>>
        %dma_start3A_24 = arith.constant 0 : i32
        %dma_start3A_25 = tpu.memref_slice %arg5[%add3A_23, %dma_start3A_24] : memref<384x512xf32, #tpu.memory_space<hbm>> -> memref<16x512xf32, #tpu.memory_space<hbm>>
        %dma_start3A_26 = arith.constant 0 : i32
        %dma_start3A_27 = tpu.memref_slice %arg5[%add3A_23, %dma_start3A_26] : memref<384x512xf32, #tpu.memory_space<hbm>> -> memref<16x512xf32, #tpu.memory_space<hbm>>
        tpu.enqueue_dma source(%arg6 : memref<16x512xf32, #tpu.memory_space<vmem>>) target(%dma_start3A_27 : memref<16x512xf32, #tpu.memory_space<hbm>>) target_semaphore(%run_scoped3A : memref<!tpu.dma_semaphore, #tpu.memory_space<semaphore_mem>>)
        %dma_wait3A_28 = arith.constant 0 : i32
        %dma_wait3A_29 = tpu.memref_slice %arg5[%add3A_23, %dma_wait3A_28] : memref<384x512xf32, #tpu.memory_space<hbm>> -> memref<16x512xf32, #tpu.memory_space<hbm>>
        %dma_wait3A_30 = arith.constant 0 : i32
        %dma_wait3A_31 = tpu.memref_slice %arg5[%add3A_23, %dma_wait3A_30] : memref<384x512xf32, #tpu.memory_space<hbm>> -> memref<16x512xf32, #tpu.memory_space<hbm>>
        tpu.wait_dma2 semaphore(%run_scoped3A : memref<!tpu.dma_semaphore, #tpu.memory_space<semaphore_mem>>) src(%arg6 : memref<16x512xf32, #tpu.memory_space<vmem>>) dst(%dma_wait3A_31 : memref<16x512xf32, #tpu.memory_space<hbm>>)
        tpu.yield
      }) : () -> ()
    } else {
    }
    %ge3A = arith.constant 8 : i32
    %ge3A_2 = arith.cmpi sge, %arg1, %ge3A : i32
    %convert_element_type3A_3 = arith.extui %ge3A_2 : i1 to i32
    %cond3A_4 = arith.constant 0 : i32
    %cond3A_5 = arith.cmpi ne, %convert_element_type3A_3, %cond3A_4 : i32
    scf.if %cond3A_5 {
      %sub3A = arith.constant 8 : i32
      %sub3A_6 = arith.subi %arg1, %sub3A : i32
      %mul3A = arith.constant 16 : i32
      %mul3A_7 = arith.muli %sub3A_6, %mul3A : i32
      %add3A = vector.broadcast %mul3A_7 : i32 to vector<16xi32>
      %add3A_8 = arith.addi %add3A, %iota3A : vector<16xi32>
      %mul3A_9 = arith.constant 3 : i32
      %mul3A_10 = vector.broadcast %mul3A_9 : i32 to vector<16xi32>
      %mul3A_11 = arith.muli %add3A_8, %mul3A_10 : vector<16xi32>
      %dma_start3A = arith.constant 0 : i32
      %dma_start3A_12 = arith.constant 0 : i32
      %dma_start3A_13 = tpu.memref_slice %arg3[%dma_start3A, %dma_start3A_12] : memref<4096x512xf32, #tpu.memory_space<hbm>> -> memref<4096x512xf32, #tpu.memory_space<hbm>>
      tpu.enqueue_indirect_dma source(%dma_start3A_13 : memref<4096x512xf32, #tpu.memory_space<hbm>>) target(%arg6 : memref<16x512xf32, #tpu.memory_space<vmem>>) offsets(%mul3A_11 : vector<16xi32>) semaphore(%arg7 : memref<!tpu.dma_semaphore, #tpu.memory_space<semaphore_mem>>)
      %dma_wait3A = arith.constant 0 : i32
      %dma_wait3A_14 = arith.constant 0 : i32
      %dma_wait3A_15 = tpu.memref_slice %arg3[%dma_wait3A, %dma_wait3A_14] : memref<4096x512xf32, #tpu.memory_space<hbm>> -> memref<4096x512xf32, #tpu.memory_space<hbm>>
      tpu.wait_indirect_dma semaphore(%arg7 : memref<!tpu.dma_semaphore, #tpu.memory_space<semaphore_mem>>) src(%dma_wait3A_15 : memref<4096x512xf32, #tpu.memory_space<hbm>>) dst(%arg6 : memref<16x512xf32, #tpu.memory_space<vmem>>)
      %mul3A_16 = arith.constant 16 : i32
      %mul3A_17 = arith.muli %sub3A_6, %mul3A_16 : i32
      %add3A_18 = arith.constant 128 : i32
      %add3A_19 = arith.addi %add3A_18, %mul3A_17 : i32
      "tpu.region"() ({
        %run_scoped3A = tpu.sem_alloc : memref<!tpu.dma_semaphore, #tpu.memory_space<semaphore_mem>>
        %dma_start3A_20 = arith.constant 0 : i32
        %dma_start3A_21 = tpu.memref_slice %arg5[%add3A_19, %dma_start3A_20] : memref<384x512xf32, #tpu.memory_space<hbm>> -> memref<16x512xf32, #tpu.memory_space<hbm>>
        %dma_start3A_22 = arith.constant 0 : i32
        %dma_start3A_23 = tpu.memref_slice %arg5[%add3A_19, %dma_start3A_22] : memref<384x512xf32, #tpu.memory_space<hbm>> -> memref<16x512xf32, #tpu.memory_space<hbm>>
        tpu.enqueue_dma source(%arg6 : memref<16x512xf32, #tpu.memory_space<vmem>>) target(%dma_start3A_23 : memref<16x512xf32, #tpu.memory_space<hbm>>) target_semaphore(%run_scoped3A : memref<!tpu.dma_semaphore, #tpu.memory_space<semaphore_mem>>)
        %dma_wait3A_24 = arith.constant 0 : i32
        %dma_wait3A_25 = tpu.memref_slice %arg5[%add3A_19, %dma_wait3A_24] : memref<384x512xf32, #tpu.memory_space<hbm>> -> memref<16x512xf32, #tpu.memory_space<hbm>>
        %dma_wait3A_26 = arith.constant 0 : i32
        %dma_wait3A_27 = tpu.memref_slice %arg5[%add3A_19, %dma_wait3A_26] : memref<384x512xf32, #tpu.memory_space<hbm>> -> memref<16x512xf32, #tpu.memory_space<hbm>>
        tpu.wait_dma2 semaphore(%run_scoped3A : memref<!tpu.dma_semaphore, #tpu.memory_space<semaphore_mem>>) src(%arg6 : memref<16x512xf32, #tpu.memory_space<vmem>>) dst(%dma_wait3A_27 : memref<16x512xf32, #tpu.memory_space<hbm>>)
        tpu.yield
      }) : () -> ()
    } else {
    }
    return
  }
}

</mosaic_0001>

<sc_bundles>
// kernel: kernel.3.cloned.1.call-start
scs
__scs_entry_jumppad:
0x0: {  	(pc) =	sbr.rel $0x88, $3  }
0x1: {  	(tag) =	ssettag $0x0;
	lr =	simm.s32 $0x1  }
0x2: {  	[smem:$0x3F9E] =	sst lr;
	_ =	strace $0xD0000000  }
0x3: {  	_ = 	snop  }
0x4: {  	_ = 	snop  }
0x5: {  	_ = 	snop  }
0x6: {  	_ = 	snop  }
0x7: {  	_ = 	snop  }
__scs_overlays_trampoline_lowered:
0x8: {  	[smem:$0x3FAD] =	sst s0  }
0x9: {  	[smem:$0x3FAE] =	sst s1  }
0xa: {  	[smem:$0x3FAF] =	sst s2  }
0xb: {  	[smem:$0x3FB0] =	sst s3  }
0xc: {  	[smem:$0x3FB1] =	sst s4  }
0xd: {  	[smem:$0x3FB2] =	sst s5  }
0xe: {  	[smem:$0x3FB3] =	sst s6  }
0xf: {  	[smem:$0x3FB4] =	sst s7  }
0x10: {  	[smem:$0x3FB5] =	sst s8  }
0x11: {  	[smem:$0x3FB6] =	sst s9;
	s0 =	simm.s32 @!p0 $0x0  }
0x12: {  	s1 =	sld [smem:$0x3F9C];
	s0 =	simm.s32 @p0 $0x1  }
0x13: {  	[smem:$0x3FB7] =	sst s0;
	s0 =	simm.s32 @!p1 $0x0  }
0x14: {  	s2 =	sld [smem:$0x3F9B];
	s0 =	simm.s32 @p1 $0x1  }
0x15: {  	[smem:$0x3FB8] =	sst s0;
	s0 =	simm.s32 @!p2 $0x0  }
0x16: {  	s3 =	sld [smem:$0x3FDB];
	s0 =	simm.s32 @p2 $0x1  }
0x17: {  	s4 =	simm.s32 $0x1BF5;
	[smem:$0x3FBA] =	sst s0  }
0x18: {  	s0 =	sld [smem:$0x3F9D];
	_ =	swait.ge [sflag:s4], $0x0  }
0x19: {  	s7 =	sld [smem:$0x3F9E]  }
0x1a: {  	s8 =	sadd.s32 $0xFFFFE003, lr  }
0x1b: {  	s9 =	sadd.s32 $0xFFFFFEF7, lr;
	s5 =	simm.s32 $0xFFFFFFFF;
	p2 =	slt.u32 s8, $0xFFFFF086  }
0x1c: {  	p1 =	slt.u32 s9, $0xF7A;
	s5 =	simm.s32 @!p2 $0x0  }
0x1d: {  	s5 =	simm.s32 @p1 $0x1;
	p0 =	seq.s32 s7, s2  }
0x1e: {  	s7 =	smul.u32 @!p0 $0xF7A, s2;
	p2 =	seq.s32 @!p0 s5, $0x0  }
0x1f: {  	s9 =	smul.u32 $0xF7A, s1;
	s8 =	simm.s32 @!p0 $0x1BF5;
	p2 =	por !p2, p0  }
0x20: {  	[sflag:s8] =	ssyncset.s32 @!p0 $0xFFFFF086;
	s6 =	sadd.s32 @!p0 s3, s7;
	s7 =	simm.s32 @!p0 $0x108  }
0x21: {  	s3 =	sadd.s32 s3, s9;
	s6 =	sadd.s32 @!p0 $0x88, s6;
	s7 =	simm.s32 @p2 $0x1082  }
0x22: {  	[simem:s7], [sflag:s8] =	dma.local @!p0 [hbm:s6], $0xF7A  }
0x23: {  	s9 =	sor.u32 $0xD0000000, s2;
	s6 =	simm.s32 $0x108;
	_ =	swait.ge @!p0 [sflag:s8], $0x0  }
0x24: {  	s3 =	sadd.s32 $0x88, s3;
	s6 =	simm.s32 @!p1 $0x1082;
	[sflag:s4] =	ssyncset.s32 $0xFFFFF086  }
0x25: {  	[simem:s6], [sflag:s4] =	dma.local [hbm:s3], $0xF7A  }
0x26: {  	[smem:$0x3F9E] =	sst s1;
	(tag) =	ssettag s2;
	_ =	strace s9  }
0x27: {  	s1 =	sld [smem:$0x3FAE]  }
0x28: {  	s2 =	sld [smem:$0x3FAF]  }
0x29: {  	s4 =	sld [smem:$0x3FB1]  }
0x2a: {  	p0 =	seq.s32 s5, $0x0;
	s5 =	sld [smem:$0x3FB2]  }
0x2b: {  	s6 =	sld [smem:$0x3FB3]  }
0x2c: {  	s7 =	sld [smem:$0x3FB4]  }
0x2d: {  	s3 =	simm.s32 $0x108;
	s8 =	sld [smem:$0x3FB5]  }
0x2e: {  	s3 =	simm.s32 @!p0 $0x1082;
	s9 =	sld [smem:$0x3FB6]  }
0x2f: {  	lr =	sadd.s32 s0, s3;
	s0 =	sld [smem:$0x3FAD]  }
0x30: {  	s3 =	sld [smem:$0x3FB0]  }
0x31: {  	[smem:$0x3FB9] =	sst s10  }
0x32: {  	s10 =	sld [smem:$0x3FB7];
	_ =	sdelay $0x3  }
0x33: {  	p0 =	seq.s32 s10, $0x1;
	s10 =	sld [smem:$0x3FB9];
	_ =	sdelay $0x3  }
0x34: {  	[smem:$0x3FB9] =	sst s10  }
0x35: {  	s10 =	sld [smem:$0x3FB8];
	_ =	sdelay $0x3  }
0x36: {  	p1 =	seq.s32 s10, $0x1;
	s10 =	sld [smem:$0x3FB9];
	_ =	sdelay $0x3  }
0x37: {  	[smem:$0x3FB9] =	sst s10  }
0x38: {  	s10 =	sld [smem:$0x3FBA]  }
0x39: {  	_ = 	snop;
	(pc) =	sbr.ind lr, $3  }
0x3a: {  	_ = 	snop  }
0x3b: {  	_ = 	snop  }
0x3c: {  	p2 =	seq.s32 s10, $0x1;
	s10 =	sld [smem:$0x3FB9]  }
0x3d: {  	_ =	shalt  }
0x3e: {  	_ =	shalt  }
0x3f: {  	_ =	shalt  }
0x40: {  	_ =	shalt  }
0x41: {  	_ =	shalt  }
0x42: {  	_ =	shalt  }
0x43: {  	_ =	shalt  }
0x44: {  	_ =	shalt  }
0x45: {  	_ =	shalt  }
0x46: {  	_ =	shalt  }
0x47: {  	_ =	shalt  }
0x48: {  	_ =	shalt  }
0x49: {  	_ =	shalt  }
0x4a: {  	_ =	shalt  }
0x4b: {  	_ =	shalt  }
0x4c: {  	_ =	shalt  }
0x4d: {  	_ =	shalt  }
0x4e: {  	_ =	shalt  }
0x4f: {  	_ =	shalt  }
0x50: {  	_ =	shalt  }
0x51: {  	_ =	shalt  }
0x52: {  	_ =	shalt  }
0x53: {  	_ =	shalt  }
0x54: {  	_ =	shalt  }
0x55: {  	_ =	shalt  }
0x56: {  	_ =	shalt  }
0x57: {  	_ =	shalt  }
0x58: {  	_ =	shalt  }
0x59: {  	_ =	shalt  }
0x5a: {  	_ =	shalt  }
0x5b: {  	_ =	shalt  }
0x5c: {  	_ =	shalt  }
0x5d: {  	_ =	shalt  }
0x5e: {  	_ =	shalt  }
0x5f: {  	_ =	shalt  }
0x60: {  	_ =	shalt  }
0x61: {  	_ =	shalt  }
0x62: {  	_ =	shalt  }
0x63: {  	_ =	shalt  }
0x64: {  	_ =	shalt  }
0x65: {  	_ =	shalt  }
0x66: {  	_ =	shalt  }
0x67: {  	_ =	shalt  }
0x68: {  	_ =	shalt  }
0x69: {  	_ =	shalt  }
0x6a: {  	_ =	shalt  }
0x6b: {  	_ =	shalt  }
0x6c: {  	_ =	shalt  }
0x6d: {  	_ =	shalt  }
0x6e: {  	_ =	shalt  }
0x6f: {  	_ =	shalt  }
0x70: {  	_ =	shalt  }
0x71: {  	_ =	shalt  }
0x72: {  	_ =	shalt  }
0x73: {  	_ =	shalt  }
0x74: {  	_ =	shalt  }
0x75: {  	_ =	shalt  }
0x76: {  	_ =	shalt  }
0x77: {  	_ =	shalt  }
0x78: {  	_ =	shalt  }
0x79: {  	_ =	shalt  }
0x7a: {  	_ =	shalt  }
0x7b: {  	_ =	shalt  }
0x7c: {  	_ =	shalt  }
0x7d: {  	_ =	shalt  }
0x7e: {  	_ =	shalt  }
0x7f: {  	_ =	shalt  }
0x80: {  	_ =	shalt  }
0x81: {  	_ =	shalt  }
0x82: {  	_ =	shalt  }
0x83: {  	_ =	shalt  }
0x84: {  	_ =	shalt  }
0x85: {  	_ =	shalt  }
0x86: {  	_ =	shalt  }
0x87: {  	_ =	shalt  }
.Lfunc_end0:
.L_simem_size_0:
called_computation_lowered:
.L_overlay_start_0:
0x88: {  	s0 =	sld [smem:$0x3FD9]  }
0x89: {  	s1 =	sld [smem:$0x3FFE];
	_ =	sdelay $0x3  }
0x8a: {  	s0 =	sadd.s32 s1, s0  }
0x8b: {  	[smem:$0x3FC5] =	sst s0  }
0x8c: {  	_ = 	snop  }
0x8d: {  	s0 =	sld [smem:$0x3FC9]  }
0x8e: {  	s17 =	sld [smem:$0x3FC8]  }
0x8f: {  	s2 =	sld [smem:$0x3FC7]  }
0x90: {  	s3 =	sld [smem:$0x3FD0];
	(tm) =	ssettm $0x1  }
0x91: {  	s4 =	sld [smem:$0x3FFB];
	_ =	sdelay $0x3  }
0x92: {  	_ =	strace s4  }
0x93: {  	s4 =	sld [smem:$0x3FFC];
	_ =	sdelay $0x3  }
0x94: {  	_ =	strace s4  }
0x95: {  	s4 =	sld [smem:$0x3FFD];
	_ =	sdelay $0x3  }
0x96: {  	_ =	strace s4  }
0x97: {  	_ =	strace $0x8FFFFFFF  }
0x98: {  	s18 =	sld [smem:$0x3FDB];
	_ =	sdelay $0x1  }
0x99: {  	s5 =	simm.s32 $_scs_section_size  }
0x9a: {  	s6 =	simm.s32 $_size__tile_overlayer_lowered;
	s7 =	simm.s32 $_tile_overlayer_lowered  }
0x9b: {  	s21 =	simm.s32 $0x1BFF;
	s20 =	sshll.u32 s7, $0x1;
	s4 =	sadd.s32 s5, s18  }
0x9c: {  	s8 =	simm.s32 $0x0;
	s19 =	sshll.u32 s6, $0x1;
	s6 =	sadd.s32 s20, s4  }
0x9d: {  	[timem:s8], [sflag:s21] =	dma.local [hbm:s6], s19  }
0x9e: {  	_ =	swait.ge [sflag:s21], s19  }
0x9f: {  	s5 =	ssub.s32 $0x0, s19;
	[sflag:s21] =	ssyncset.done $0x0  }
0xa0: {  	[sflag:s21] =	ssyncadd.s32 s5;
	_ =	sdelay $0x1  }
0xa1: {  	s22 =	simm.s32 $0x1B8B  }
0xa2: {  	_ =	swait.ge [sflag:s22], $0x1  }
0xa3: {  	[sflag:s22] =	ssyncset.done $0x0  }
0xa4: {  	s23 =	simm.s32 $0x1B8E;
	[sflag:s22] =	ssyncadd.s32 $0xFFFFFFFF  }
0xa5: {  	s24 =	simm.s32 $execute0_lowered;
	[smem:$0x3FD2] =	sst s23  }
0xa6: {  	s5 =	sshll.u32 s24, $0x1;
	_ =	strace $0x80000046;
	[dreg:$0x1] =	wrdreg $0xFFFFFFFF  }
0xa7: {  	s25 =	simm.s32 $_size_execute0_lowered;
	s4 =	sadd.s32 s4, s5;
	[dreg:$0x0] =	wrdreg $0x0  }
0xa8: {  	s5 =	sshll.u32 s25, $0x1;
	[dreg:$0x2] =	wrdreg s4  }
0xa9: {  	[dreg:$0x3] =	wrdreg s5  }
0xaa: {  	[dreg:$0x4] =	wrdreg $0xC0  }
0xab: {  	_ =	task [dreg:s8], $0x5FFFF  }
0xac: {  	[dreg:$0x1] =	wrdreg $0xFFFFFFFF  }
0xad: {  	[dreg:$0x0] =	wrdreg $0x60  }
0xae: {  	[dreg:$0x2] =	wrdreg s0  }
0xaf: {  	[dreg:$0x3] =	wrdreg s17  }
0xb0: {  	[dreg:$0x4] =	wrdreg s2  }
0xb1: {  	[dreg:$0x5] =	wrdreg s3  }
0xb2: {  	[dreg:$0x6] =	wrdreg $0x9  }
0xb3: {  	_ =	task.clear_ibuf [dreg:s8], $0x7FFFF;
	_ =	strace $0x90000046  }
0xb4: {  	s26 =	simm.s32 $0x9;
	_ =	strace $0x80000048  }
0xb5: {  	_ =	swait.ge [sflag:s26], $0x1  }
0xb6: {  	[sflag:s26] =	ssyncadd.s32 $0xFFFFFFFF  }
0xb7: {  	_ =	strace $0x90000048  }
0xb8: {  	_ =	sfence  }
0xb9: {  	s28 =	sld [smem:$0x0];
	_ =	sdelay $0x1  }
0xba: {  	s29 =	srdreg.scid  }
0xbb: {  	s30 =	sshll.u32 s29, $0xD;
	s31 =	sshrl.u32 s29, $0x2  }
0xbc: {  	s1 =	sand.u32 $0x1, s29;
	s2 =	sand.u32 $0x4000, s30;
	s0 =	sadd.s32 s31, s28  }
0xbd: {  	s1 =	sor.u32 s2, s1;
	s0 =	sshll.u32 s0, $0x11  }
0xbe: {  	s0 =	sor.u32 s0, s1  }
0xbf: {  	s0 =	sadd.s32 $0x8F2B, s0  }
0xc0: {  	[sflag:s0] =	ssyncadd.remote.s32 $0x1  }
0xc1: {  	_ =	sfence.sel $0xFFFF  }
0xc2: {  	[dreg:$0x0] =	wrdreg $0xFFFFFFFF;
	(pc) =	sbr.abs _section_cstart, $3  }
0xc3: {  	[dreg:$0x1] =	wrdreg $0xFFFFFFFF  }
0xc4: {  	_ =	task.clear_ibuf [dreg:s8], $0x2FFFF;
	_ =	strace $0x9FFFFFFF  }
0xc5: {  	(tm) =	ssettm $0x7FFFFFFF  }
tec
execute0_lowered:
.L_overlay_start_1:
0x0: {  	(tag) =	ssettag $0x1  }
0x1: {  	s0 =	stileid.u32  }
0x2: {  	p0 =	sgt.u32 s0, $0x7  }
0x3: {  	s1 =	sshll.u32 @p0 s0, $0x4  }
0x4: {  	s1 =	sadd.s32 @p0 $0xFFFFFF80, s1  }
0x5: {  	v0 =	vmov @p0 s1  }
0x6: {  	v0 =	vmul.u32 @p0 $0x3, v0  }
0x7: {  	v1 =	vlaneseq.u32 @p0  }
0x8: {  	v2 =	vmul.u32 @p0 $0x3, v1;
	v0 =	vbroadcast @p0 v0, $0x0;
	_ =	sdelay $0x1  }
0x9: {  	v0 =	vadd.s32 @p0 v2, v0  }
0xa: {  	v2 =	vshll.u32 @p0 v0, $0x2  }
0xb: {  	v0 =	vand.u32 @p0 $0x7, v0;
	v2 =	vand.u32 @p0 $0xFFFFFFE0, v2  }
0xc: {  	v3 =	vshrl.u32 @p0 v1, $0x3;
	v0 =	vor.u32 @p0 v0, v2;
	v2 =	vand.u32 @p0 $0x7, v1  }
0xd: {  	v3 =	vmul.u32 @p0 $0x8, v3;
	v2 =	vperm.xlane @p0 v0, v2  }
0xe: {  	s4 =	rddreg [dreg:$0x0]  }
0xf: {  	s5 =	rddreg [dreg:$0x1];
	v2 =	vadd.s32 @p0 v3, v2  }
0x10: {  	s6 =	rddreg [dreg:$0x2];
	v1 =	vor.u32 @p0 $0x8, v1  }
0x11: {  	s3 =	rddreg [dreg:$0x3];
	s2 =	simm.s32 $0x0;
	s7 =	sshll.u32 @!p0 s0, $0x4;
	v0 =	vperm.xlane @p0 v0, v1;
	v1 =	vlaneseq.u32 @!p0  }
0x12: {  	[smem:$0x7FF] =	sst s2;
	vm0 =	vmmov @p0 $0xffff;
	v4 =	vor.u32 @!p0 s7, v1;
	v5 =	vand.u32 @!p0 $0x1, v1  }
0x13: {  	s1 =	rddreg [dreg:$0x4];
	_ =	strace $0x80000047;
	s7 =	simm.s32 @p0 $0x0;
	v0 =	vadd.s32 @p0 v3, v0;
	v3 =	vshrl.u32 @!p0 v4, $0x1;
	v4 =	vmul.u32 @!p0 $0x320, v5  }
0x14: {  	v5 =	vshll.u32 @!p0 v3, $0x2;
	[tilespmem:s7], [sflag:$0x1] =	stream.indirect_vreg.gather @p0 [hbm4b:s5+s7], $0x80, v2, vm0, $0xb8;
	[tilespmem:$0x2000] =	vst v63  }
0x15: {  	s8 =	sadd.s32 @p0 $0x100, s5;
	s9 =	simm.s32 @p0 $0x800;
	v4 =	vadd.s32 @!p0 v4, v5  }
0x16: {  	v3 =	vand.u32 @!p0 $0x7, v3;
	[tilespmem:s9], [sflag:$0x1] =	stream.indirect_vreg.gather @p0 [hbm4b:s8+s7], $0x80, v2, vm0, $0xb8;
	v2 =	vand.u32 @!p0 $0x7FFFFFE0, v4;
	[tilespmem:$0x2000] =	vst v63  }
0x17: {  	s9 =	simm.s32 @p0 $0x1000;
	v4 =	vshrl.u32 @!p0 v1, $0x3;
	v2 =	vor.u32 @!p0 v3, v2;
	v3 =	vand.u32 @!p0 $0x7, v1  }
0x18: {  	v4 =	vmul.u32 @!p0 $0x8, v4;
	[tilespmem:s9], [sflag:$0x1] =	stream.indirect_vreg.gather @p0 [hbm4b:s5+s7], $0x80, v0, vm0, $0xb8;
	v3 =	vperm.xlane @!p0 v2, v3;
	[tilespmem:$0x2000] =	vst v63  }
0x19: {  	s5 =	simm.s32 @p0 $0x1800  }
0x1a: {  	[tilespmem:s5], [sflag:$0x1] =	stream.indirect_vreg.gather @p0 [hbm4b:s8+s7], $0x80, v0, vm0, $0xb8;
	v0 =	vadd.s32 @!p0 v4, v3;
	[tilespmem:$0x2000] =	vst v63  }
0x1b: {  	v1 =	vor.u32 @!p0 $0x8, v1;
	s5 =	simm.s32 @p0 $0x1  }
0x1c: {  	v1 =	vperm.xlane @!p0 v2, v1;
	_ =	swait.ge @p0 [sflag:s5], $0x2000  }
0x1d: {  	[sflag:s5] =	ssyncset.done @p0 $0x0  }
0x1e: {  	vm0 =	vmmov @!p0 $0xffff;
	v1 =	vadd.s32 @!p0 v4, v1;
	[sflag:s5] =	ssyncadd.s32 @p0 $0xFFFFE000;
	s5 =	simm.s32 @!p0 $0x0  }
0x1f: {  	[tilespmem:s5], [sflag:$0x1] =	stream.indirect_vreg.gather @!p0 [hbm4b:s6+s5], $0x80, v0, vm0, $0xb8;
	[tilespmem:$0x2000] =	vst v63  }
0x20: {  	s7 =	sadd.s32 @!p0 $0x100, s6;
	s8 =	simm.s32 @!p0 $0x800  }
0x21: {  	[tilespmem:s8], [sflag:$0x1] =	stream.indirect_vreg.gather @!p0 [hbm4b:s7+s5], $0x80, v0, vm0, $0xb8;
	[tilespmem:$0x2000] =	vst v63  }
0x22: {  	s8 =	simm.s32 @!p0 $0x1000  }
0x23: {  	[tilespmem:s8], [sflag:$0x1] =	stream.indirect_vreg.gather @!p0 [hbm4b:s6+s5], $0x80, v1, vm0, $0xb8;
	[tilespmem:$0x2000] =	vst v63  }
0x24: {  	s6 =	simm.s32 @!p0 $0x1800  }
0x25: {  	[tilespmem:s6], [sflag:$0x1] =	stream.indirect_vreg.gather @!p0 [hbm4b:s7+s5], $0x80, v1, vm0, $0xb8;
	[tilespmem:$0x2000] =	vst v63  }
0x26: {  	s5 =	sshll.u32 @!p0 s0, $0xA;
	s6 =	sshll.u32 @!p0 s0, $0x6  }
0x27: {  	s7 =	sadd.s32 @!p0 s3, s5;
	s4 =	sadd.s32 @!p0 s4, s5;
	s5 =	sor.u32 @!p0 $0x1C02, s6  }
0x28: {  	[hbm:s7], [sflag:s5] =	dma.local @!p0 [hbm:s4], $0x400  }
0x29: {  	s4 =	simm.s32 @!p0 $0x2  }
0x2a: {  	_ =	swait.ge @!p0 [sflag:s4], $0x400  }
0x2b: {  	[sflag:s4] =	ssyncset.done @!p0 $0x0  }
0x2c: {  	[sflag:s4] =	ssyncadd.s32 @!p0 $0xFFFFFC00;
	s4 =	simm.s32 @!p0 $0x1  }
0x2d: {  	s5 =	sshll.u32 @p0 s0, $0xA;
	_ =	swait.ge @!p0 [sflag:s4], $0x2000  }
0x2e: {  	s3 =	sadd.s32 @p0 s3, s5;
	s5 =	sadd.s32 @!p0 $0x4000, s7;
	[sflag:s4] =	ssyncset.done @!p0 $0x0  }
0x2f: {  	s31 =	simm.s32 $0x2;
	s5 =	smov.u32 @p0 s3;
	[sflag:s4] =	ssyncadd.s32 @!p0 $0xFFFFE000  }
0x30: {  	[hbm4b:s5+s2] =	stream.linear.scatter [tilespmem:s2], [sflag:$0x2], $0x2000, $0x38;
	[tilespmem:$0x2000] =	vst v63  }
0x31: {  	_ =	swait.ge [sflag:s31], $0x2000  }
0x32: {  	[sflag:s31] =	ssyncset.done $0x0  }
0x33: {  	[sflag:s31] =	ssyncadd.s32 $0xFFFFE000  }
0x34: {  	_ =	sfence.sel $0x180000  }
0x35: {  	[bflag:$0x0] =	sbarrier.arrive $0xFFFF  }
0x36: {  	p0 =	sne.s32 s0, $0x0;
	_ =	strace $0x90000047  }
0x37: {  	s0 =	sadd.s32 @!p0 $0x100000, s1;
	[bflag:$0x2] =	sbarrier.arrive $0xFFFF  }
0x38: {  	[sflag:s0] =	ssyncadd.tile.s32 @!p0 $0x1;
	_ =	shalt  }
.Lfunc_end2:
_tile_overlayer_lowered:
.L_overlay_start_2:
0x39: {  	(tag) =	ssettag $0x2  }
0x3a: {  	s0 =	rddreg [dreg:$0x0];
	s2 =	stileid.u32  }
0x3b: {  	s1 =	rddreg [dreg:$0x1];
	p0 =	sne.s32 s2, $0x0  }
0x3c: {  	s3 =	rddreg [dreg:$0x2];
	[bflag:$0x3] =	sbarrier.arrive $0xFFFF;
	s2 =	simm.s32 @!p0 $0x1C02  }
0x3d: {  	[timem:s3], [sflag:s2] =	dma.local @!p0 [hbm:s0], s1  }
0x3e: {  	s0 =	simm.s32 @!p0 $0x2  }
0x3f: {  	_ =	swait.ge @!p0 [sflag:s0], s1  }
0x40: {  	s1 =	ssub.s32 @!p0 $0x0, s1;
	[sflag:s0] =	ssyncset.done @!p0 $0x0  }
0x41: {  	[sflag:s0] =	ssyncadd.s32 @!p0 s1  }
0x42: {  	[bflag:$0x3] =	sbarrier.arrive $0xFFFF  }
0x43: {  	_ =	shalt  }

</sc_bundles>
